<compile_context>
chip_gen: v7x
topology: tpu7x:2x2x1
jax: 0.10.2.dev20260603
libtpu: 0.0.44.dev20260713+nightly
codegen_flags: <defaults>
</compile_context>

<pallas_src>
import functools

import jax
import jax.numpy as jnp
from jax import lax
from jax.experimental import pallas as pl
from jax.experimental.pallas import tpu as pltpu
from jax.experimental.pallas import tpu_sc as plsc

NC = 2
NS = 16
NW = NC * NS
VOCAB = 1000
D = 1000
D_PAD = 1024
BATCH = 1024
SEQ = 50
BBLK = 32
N_BBLK = BATCH // BBLK
NCH = 5
SCH = SEQ // NCH
N_UNITS = SCH * N_BBLK
U_PER_W = N_UNITS // NW

_mesh = plsc.VectorSubcoreMesh(core_axis_name="c", subcore_axis_name="s")


@jax.jit
def _gather(table_pad, idxg):
    @functools.partial(
        pl.kernel,
        mesh=_mesh,
        out_type=jax.ShapeDtypeStruct((SCH, BATCH, D_PAD), jnp.float32),
        scratch_types=[
            pltpu.VMEM((U_PER_W, BBLK), jnp.int32),
            pltpu.VMEM((BBLK, D_PAD), jnp.float32),
            pltpu.VMEM((BBLK, D_PAD), jnp.float32),
            pltpu.SemaphoreType.DMA,
            pltpu.SemaphoreType.DMA,
        ],
    )
    def k(table_hbm, idx_hbm, out_hbm, idx_v, rows0, rows1, sem0, sem1):
        wid = lax.axis_index("s") * NC + lax.axis_index("c")
        pltpu.sync_copy(idx_hbm.at[wid], idx_v)
        gbase = wid * U_PER_W

        def dst(u):
            g = gbase + u
            return out_hbm.at[g // N_BBLK, pl.ds((g % N_BBLK) * BBLK, BBLK)]

        pltpu.async_copy(table_hbm.at[idx_v.at[0]], rows0, sem0)

        def wait_gather(buf, sem):
            pltpu.make_async_copy(table_hbm.at[pl.ds(0, BBLK)], buf, sem).wait()

        @pl.loop(0, U_PER_W, step=2)
        def _(u):
            pltpu.async_copy(table_hbm.at[idx_v.at[u + 1]], rows1, sem1)
            wait_gather(rows0, sem0)
            pltpu.sync_copy(rows0, dst(u))

            @pl.when(u + 2 < U_PER_W)
            def _():
                pltpu.async_copy(table_hbm.at[idx_v.at[u + 2]], rows0, sem0)

            wait_gather(rows1, sem1)
            pltpu.sync_copy(rows1, dst(u + 1))

    return k(table_pad, idxg)


FB = 512
_N_F = D_PAD // FB


def _txp_body(i_ref, _a_ref, o_ref):
    o_ref[...] = jnp.swapaxes(i_ref[...], 1, 2)


def _txp0_body(i_ref, o_ref):
    o_ref[...] = jnp.swapaxes(i_ref[...], 1, 2)


def _make_txp(c):
    if c == 0:
        return pl.pallas_call(
            _txp0_body,
            grid=(SCH // 2, _N_F),
            in_specs=[pl.BlockSpec((2, BATCH, FB), lambda s, j: (s, 0, j))],
            out_specs=pl.BlockSpec((2, FB, BATCH), lambda s, j: (s, j, 0)),
            out_shape=jax.ShapeDtypeStruct((SEQ, D, BATCH), jnp.float32),
        )
    return pl.pallas_call(
        _txp_body,
        grid=(SCH // 2, _N_F),
        in_specs=[
            pl.BlockSpec((2, BATCH, FB), lambda s, j: (s, 0, j)),
            pl.BlockSpec(memory_space=pl.ANY),
        ],
        out_specs=pl.BlockSpec(
            (2, FB, BATCH), lambda s, j, c=c: (c * (SCH // 2) + s, j, 0)
        ),
        out_shape=jax.ShapeDtypeStruct((SEQ, D, BATCH), jnp.float32),
        input_output_aliases={1: 0},
    )


_txps = [_make_txp(c) for c in range(NCH)]


def kernel(x, table):
    table_pad = jnp.pad(table, ((0, 0), (0, D_PAD - D)))
    xT = x.T
    chunks = [
        _gather(table_pad, xT[c * SCH:(c + 1) * SCH].reshape(NW, U_PER_W, BBLK))
        for c in range(NCH)
    ]
    out = _txps[0](chunks[0])
    for c in range(1, NCH):
        out = _txps[c](chunks[c], out)
    return jnp.transpose(out, (2, 0, 1))

# --- scband reference (transcript-rebuilt; emitter-appended) ---
"""Pipeline reference for scband-model-16509854286022 (READ-ONLY COPY).

The authoritative reference and input builder live on the scoring server;
editing this copy changes nothing except your own understanding.
"""

import jax, jax.numpy as jnp
import numpy as np

VOCAB = 1000
BATCH = 1024
SEQ = 50

def setup_inputs(seed: int = 0) -> dict:
    key = jax.random.key(seed)
    k1, k2 = jax.random.split(key)
    x = jax.random.randint(k1, (BATCH, SEQ), 0, VOCAB, dtype=jnp.int64 if jax.config.read('jax_enable_x64') else jnp.int32)
    x = x.astype(jnp.int32)
    table = jax.random.normal(k2, (VOCAB, VOCAB), dtype=jnp.float32) * 0.02
    return {"x": x, "table": table}

def reference(x, table):
    # Model.forward with return_loss=False: logits = self.embed(x)
    # Embedding lookup: gather rows of the [vocab, vocab] table.
    logits = jnp.take(table, x, axis=0)  # [B, S, VOCAB]
    return logits

if __name__ == "__main__":
    import jax
    _d = setup_inputs()
    print(jax.jit(kernel)(*tuple(_d.values())))

</pallas_src>

<mosaic_0001>
#map = affine_map<(d0, d1) -> (0, 0)>
#map1 = affine_map<(d0, d1) -> (0, 0, 0)>
module attributes {stable_mosaic.version = 14 : i64} {
  func.func @k(%arg0: i32, %arg1: i32, %arg2: memref<1000x1024xf32, #tpu.memory_space<hbm>>, %arg3: memref<32x10x32xi32, #tpu.memory_space<hbm>>, %arg4: memref<10x1024x1024xf32, #tpu.memory_space<hbm>>, %arg5: memref<10x32xi32, #tpu.memory_space<vmem>>, %arg6: memref<32x1024xf32, #tpu.memory_space<vmem>>, %arg7: memref<32x1024xf32, #tpu.memory_space<vmem>>, %arg8: memref<!tpu.dma_semaphore, #tpu.memory_space<semaphore_mem>>, %arg9: memref<!tpu.dma_semaphore, #tpu.memory_space<semaphore_mem>>) attributes {dimension_semantics = [#tpu.dimension_semantics<core_parallel>, #tpu.dimension_semantics<subcore_parallel>], iteration_bounds = array<i64: 2, 16>, scalar_prefetch = 0 : i64, scratch_operands = 5 : i64, tpu.core_type = #tpu.core_type<sc_vector_subcore>, window_params = [{transform_indices = #map}, {transform_indices = #map1}, {transform_indices = #map1}]} {
    %mul3A = arith.constant 2 : i32
    %mul3A_0 = arith.muli %arg1, %mul3A : i32
    %add3A = arith.addi %mul3A_0, %arg0 : i32
    "tpu.region"() ({
      %run_scoped3A = tpu.sem_alloc : memref<!tpu.dma_semaphore, #tpu.memory_space<semaphore_mem>>
      %dma_start3A_13 = arith.constant 0 : i32
      %dma_start3A_14 = arith.constant 0 : i32
      %dma_start3A_15 = tpu.memref_slice %arg3[%add3A, %dma_start3A_13, %dma_start3A_14] : memref<32x10x32xi32, #tpu.memory_space<hbm>> -> memref<1x10x32xi32, #tpu.memory_space<hbm>>
      %dma_start3A_16 = tpu.memref_squeeze %dma_start3A_15 : memref<1x10x32xi32, #tpu.memory_space<hbm>> -> memref<10x32xi32, #tpu.memory_space<hbm>>
      %dma_start3A_17 = arith.constant 0 : i32
      %dma_start3A_18 = arith.constant 0 : i32
      %dma_start3A_19 = tpu.memref_slice %arg3[%add3A, %dma_start3A_17, %dma_start3A_18] : memref<32x10x32xi32, #tpu.memory_space<hbm>> -> memref<1x10x32xi32, #tpu.memory_space<hbm>>
      %dma_start3A_20 = tpu.memref_squeeze %dma_start3A_19 : memref<1x10x32xi32, #tpu.memory_space<hbm>> -> memref<10x32xi32, #tpu.memory_space<hbm>>
      tpu.enqueue_dma source(%dma_start3A_20 : memref<10x32xi32, #tpu.memory_space<hbm>>) target(%arg5 : memref<10x32xi32, #tpu.memory_space<vmem>>) target_semaphore(%run_scoped3A : memref<!tpu.dma_semaphore, #tpu.memory_space<semaphore_mem>>)
      %dma_wait3A = arith.constant 0 : i32
      %dma_wait3A_21 = arith.constant 0 : i32
      %dma_wait3A_22 = tpu.memref_slice %arg3[%add3A, %dma_wait3A, %dma_wait3A_21] : memref<32x10x32xi32, #tpu.memory_space<hbm>> -> memref<1x10x32xi32, #tpu.memory_space<hbm>>
      %dma_wait3A_23 = tpu.memref_squeeze %dma_wait3A_22 : memref<1x10x32xi32, #tpu.memory_space<hbm>> -> memref<10x32xi32, #tpu.memory_space<hbm>>
      %dma_wait3A_24 = arith.constant 0 : i32
      %dma_wait3A_25 = arith.constant 0 : i32
      %dma_wait3A_26 = tpu.memref_slice %arg3[%add3A, %dma_wait3A_24, %dma_wait3A_25] : memref<32x10x32xi32, #tpu.memory_space<hbm>> -> memref<1x10x32xi32, #tpu.memory_space<hbm>>
      %dma_wait3A_27 = tpu.memref_squeeze %dma_wait3A_26 : memref<1x10x32xi32, #tpu.memory_space<hbm>> -> memref<10x32xi32, #tpu.memory_space<hbm>>
      tpu.wait_dma2 semaphore(%run_scoped3A : memref<!tpu.dma_semaphore, #tpu.memory_space<semaphore_mem>>) src(%dma_wait3A_27 : memref<10x32xi32, #tpu.memory_space<hbm>>) dst(%arg5 : memref<10x32xi32, #tpu.memory_space<vmem>>)
      tpu.yield
    }) : () -> ()
    %mul3A_1 = arith.constant 10 : i32
    %mul3A_2 = arith.muli %add3A, %mul3A_1 : i32
    %dma_start3A = arith.constant 0 : i32
    %dma_start3A_3 = arith.constant 0 : i32
    %dma_start3A_4 = tpu.memref_slice %arg5[%dma_start3A, %dma_start3A_3] : memref<10x32xi32, #tpu.memory_space<vmem>> -> memref<1x32xi32, #tpu.memory_space<vmem>>
    %dma_start3A_5 = tpu.memref_squeeze %dma_start3A_4 : memref<1x32xi32, #tpu.memory_space<vmem>> -> memref<32xi32, #tpu.memory_space<vmem>>
    %dma_start3A_6 = arith.constant 0 : i32
    %dma_start3A_7 = arith.constant 0 : i32
    %dma_start3A_8 = tpu.memref_slice %arg2[%dma_start3A_6, %dma_start3A_7] : memref<1000x1024xf32, #tpu.memory_space<hbm>> -> memref<1000x1024xf32, #tpu.memory_space<hbm>>
    tpu.enqueue_indirect_dma source(%dma_start3A_8 : memref<1000x1024xf32, #tpu.memory_space<hbm>>) target(%arg6 : memref<32x1024xf32, #tpu.memory_space<vmem>>) offsets(%dma_start3A_5 : memref<32xi32, #tpu.memory_space<vmem>>) semaphore(%arg8 : memref<!tpu.dma_semaphore, #tpu.memory_space<semaphore_mem>>)
    %scan3A = arith.constant 0 : i32
    %scan3A_9 = arith.constant 5 : i32
    %scan3A_10 = arith.addi %scan3A, %scan3A_9 : i32
    %scan3A_11 = arith.constant 1 : i32
    scf.for %scan3A_13 = %scan3A to %scan3A_10 step %scan3A_11  : i32 {
      %mul3A_14 = arith.constant 2 : i32
      %mul3A_15 = arith.muli %scan3A_13, %mul3A_14 : i32
      %add3A_16 = arith.constant 0 : i32
      %add3A_17 = arith.addi %add3A_16, %mul3A_15 : i32
      %add3A_18 = arith.constant 1 : i32
      %add3A_19 = arith.addi %add3A_17, %add3A_18 : i32
      %dma_start3A_20 = arith.constant 0 : i32
      %dma_start3A_21 = tpu.memref_slice %arg5[%add3A_19, %dma_start3A_20] : memref<10x32xi32, #tpu.memory_space<vmem>> -> memref<1x32xi32, #tpu.memory_space<vmem>>
      %dma_start3A_22 = tpu.memref_squeeze %dma_start3A_21 : memref<1x32xi32, #tpu.memory_space<vmem>> -> memref<32xi32, #tpu.memory_space<vmem>>
      %dma_start3A_23 = arith.constant 0 : i32
      %dma_start3A_24 = arith.constant 0 : i32
      %dma_start3A_25 = tpu.memref_slice %arg2[%dma_start3A_23, %dma_start3A_24] : memref<1000x1024xf32, #tpu.memory_space<hbm>> -> memref<1000x1024xf32, #tpu.memory_space<hbm>>
      tpu.enqueue_indirect_dma source(%dma_start3A_25 : memref<1000x1024xf32, #tpu.memory_space<hbm>>) target(%arg7 : memref<32x1024xf32, #tpu.memory_space<vmem>>) offsets(%dma_start3A_22 : memref<32xi32, #tpu.memory_space<vmem>>) semaphore(%arg9 : memref<!tpu.dma_semaphore, #tpu.memory_space<semaphore_mem>>)
      %dma_wait3A = arith.constant 0 : i32
      %dma_wait3A_26 = arith.constant 0 : i32
      %dma_wait3A_27 = tpu.memref_slice %arg2[%dma_wait3A, %dma_wait3A_26] : memref<1000x1024xf32, #tpu.memory_space<hbm>> -> memref<32x1024xf32, #tpu.memory_space<hbm>>
      %dma_wait3A_28 = arith.constant 0 : i32
      %dma_wait3A_29 = arith.constant 0 : i32
      %dma_wait3A_30 = tpu.memref_slice %arg2[%dma_wait3A_28, %dma_wait3A_29] : memref<1000x1024xf32, #tpu.memory_space<hbm>> -> memref<32x1024xf32, #tpu.memory_space<hbm>>
      tpu.wait_dma2 semaphore(%arg8 : memref<!tpu.dma_semaphore, #tpu.memory_space<semaphore_mem>>) src(%dma_wait3A_30 : memref<32x1024xf32, #tpu.memory_space<hbm>>) dst(%arg6 : memref<32x1024xf32, #tpu.memory_space<vmem>>)
      %add3A_31 = arith.addi %mul3A_2, %add3A_17 : i32
      %jit3A = arith.constant 32 : i32
      %div3A = arith.divsi %add3A_31, %jit3A : i32
      %sign3A = arith.constant 0 : i32
      %sign3A_32 = arith.cmpi sgt, %add3A_31, %sign3A : i32
      %sign3A_33 = arith.extui %sign3A_32 : i1 to i32
      %sign3A_34 = arith.constant 0 : i32
      %sign3A_35 = arith.cmpi slt, %add3A_31, %sign3A_34 : i32
      %sign3A_36 = arith.extui %sign3A_35 : i1 to i32
      %sign3A_37 = arith.subi %sign3A_33, %sign3A_36 : i32
      %sign3A_38 = arith.constant 0 : i32
      %sign3A_39 = arith.cmpi sgt, %jit3A, %sign3A_38 : i32
      %sign3A_40 = arith.extui %sign3A_39 : i1 to i32
      %sign3A_41 = arith.constant 0 : i32
      %sign3A_42 = arith.cmpi slt, %jit3A, %sign3A_41 : i32
      %sign3A_43 = arith.extui %sign3A_42 : i1 to i32
      %sign3A_44 = arith.subi %sign3A_40, %sign3A_43 : i32
      %ne3A = arith.cmpi ne, %sign3A_37, %sign3A_44 : i32
      %rem3A = arith.remsi %add3A_31, %jit3A : i32
      %ne3A_45 = arith.constant 0 : i32
      %ne3A_46 = arith.cmpi ne, %rem3A, %ne3A_45 : i32
      %and3A = arith.andi %ne3A, %ne3A_46 : i1
      %sub3A = arith.constant 1 : i32
      %sub3A_47 = arith.subi %div3A, %sub3A : i32
      %select_n3A = arith.select %and3A, %sub3A_47, %div3A : i32
      %jit3A_48 = arith.constant 32 : i32
      %eq3A = arith.constant 0 : i32
      %eq3A_49 = arith.cmpi eq, %jit3A_48, %eq3A : i32
      %jit3A_50 = arith.constant 1 : i32
      %select_n3A_51 = arith.select %eq3A_49, %jit3A_50, %jit3A_48 : i32
      %rem3A_52 = arith.remsi %add3A_31, %select_n3A_51 : i32
      %ne3A_53 = arith.constant 0 : i32
      %ne3A_54 = arith.cmpi ne, %rem3A_52, %ne3A_53 : i32
      %lt3A = arith.constant 0 : i32
      %lt3A_55 = arith.cmpi slt, %rem3A_52, %lt3A : i32
      %lt3A_56 = arith.constant 0 : i32
      %lt3A_57 = arith.cmpi slt, %select_n3A_51, %lt3A_56 : i32
      %ne3A_58 = arith.xori %lt3A_55, %lt3A_57 : i1
      %and3A_59 = arith.andi %ne3A_58, %ne3A_54 : i1
      %add3A_60 = arith.addi %rem3A_52, %select_n3A_51 : i32
      %select_n3A_61 = arith.select %and3A_59, %add3A_60, %rem3A_52 : i32
      %mul3A_62 = arith.constant 32 : i32
      %mul3A_63 = arith.muli %select_n3A_61, %mul3A_62 : i32
      "tpu.region"() ({
        %run_scoped3A = tpu.sem_alloc : memref<!tpu.dma_semaphore, #tpu.memory_space<semaphore_mem>>
        %dma_start3A_120 = arith.constant 0 : i32
        %dma_start3A_121 = tpu.memref_slice %arg4[%select_n3A, %mul3A_63, %dma_start3A_120] : memref<10x1024x1024xf32, #tpu.memory_space<hbm>> -> memref<1x32x1024xf32, #tpu.memory_space<hbm>>
        %dma_start3A_122 = tpu.memref_squeeze %dma_start3A_121 : memref<1x32x1024xf32, #tpu.memory_space<hbm>> -> memref<32x1024xf32, #tpu.memory_space<hbm>>
        %dma_start3A_123 = arith.constant 0 : i32
        %dma_start3A_124 = tpu.memref_slice %arg4[%select_n3A, %mul3A_63, %dma_start3A_123] : memref<10x1024x1024xf32, #tpu.memory_space<hbm>> -> memref<1x32x1024xf32, #tpu.memory_space<hbm>>
        %dma_start3A_125 = tpu.memref_squeeze %dma_start3A_124 : memref<1x32x1024xf32, #tpu.memory_space<hbm>> -> memref<32x1024xf32, #tpu.memory_space<hbm>>
        tpu.enqueue_dma source(%arg6 : memref<32x1024xf32, #tpu.memory_space<vmem>>) target(%dma_start3A_125 : memref<32x1024xf32, #tpu.memory_space<hbm>>) target_semaphore(%run_scoped3A : memref<!tpu.dma_semaphore, #tpu.memory_space<semaphore_mem>>)
        %dma_wait3A_126 = arith.constant 0 : i32
        %dma_wait3A_127 = tpu.memref_slice %arg4[%select_n3A, %mul3A_63, %dma_wait3A_126] : memref<10x1024x1024xf32, #tpu.memory_space<hbm>> -> memref<1x32x1024xf32, #tpu.memory_space<hbm>>
        %dma_wait3A_128 = tpu.memref_squeeze %dma_wait3A_127 : memref<1x32x1024xf32, #tpu.memory_space<hbm>> -> memref<32x1024xf32, #tpu.memory_space<hbm>>
        %dma_wait3A_129 = arith.constant 0 : i32
        %dma_wait3A_130 = tpu.memref_slice %arg4[%select_n3A, %mul3A_63, %dma_wait3A_129] : memref<10x1024x1024xf32, #tpu.memory_space<hbm>> -> memref<1x32x1024xf32, #tpu.memory_space<hbm>>
        %dma_wait3A_131 = tpu.memref_squeeze %dma_wait3A_130 : memref<1x32x1024xf32, #tpu.memory_space<hbm>> -> memref<32x1024xf32, #tpu.memory_space<hbm>>
        tpu.wait_dma2 semaphore(%run_scoped3A : memref<!tpu.dma_semaphore, #tpu.memory_space<semaphore_mem>>) src(%arg6 : memref<32x1024xf32, #tpu.memory_space<vmem>>) dst(%dma_wait3A_131 : memref<32x1024xf32, #tpu.memory_space<hbm>>)
        tpu.yield
      }) : () -> ()
      %add3A_64 = arith.constant 2 : i32
      %add3A_65 = arith.addi %add3A_17, %add3A_64 : i32
      %lt3A_66 = arith.constant 10 : i32
      %lt3A_67 = arith.cmpi slt, %add3A_65, %lt3A_66 : i32
      %convert_element_type3A = arith.extui %lt3A_67 : i1 to i32
      %cond3A = arith.constant 0 : i32
      %cond3A_68 = arith.cmpi ne, %convert_element_type3A, %cond3A : i32
      scf.if %cond3A_68 {
        %add3A_120 = arith.constant 2 : i32
        %add3A_121 = arith.addi %add3A_17, %add3A_120 : i32
        %dma_start3A_122 = arith.constant 0 : i32
        %dma_start3A_123 = tpu.memref_slice %arg5[%add3A_121, %dma_start3A_122] : memref<10x32xi32, #tpu.memory_space<vmem>> -> memref<1x32xi32, #tpu.memory_space<vmem>>
        %dma_start3A_124 = tpu.memref_squeeze %dma_start3A_123 : memref<1x32xi32, #tpu.memory_space<vmem>> -> memref<32xi32, #tpu.memory_space<vmem>>
        %dma_start3A_125 = arith.constant 0 : i32
        %dma_start3A_126 = arith.constant 0 : i32
        %dma_start3A_127 = tpu.memref_slice %arg2[%dma_start3A_125, %dma_start3A_126] : memref<1000x1024xf32, #tpu.memory_space<hbm>> -> memref<1000x1024xf32, #tpu.memory_space<hbm>>
        tpu.enqueue_indirect_dma source(%dma_start3A_127 : memref<1000x1024xf32, #tpu.memory_space<hbm>>) target(%arg6 : memref<32x1024xf32, #tpu.memory_space<vmem>>) offsets(%dma_start3A_124 : memref<32xi32, #tpu.memory_space<vmem>>) semaphore(%arg8 : memref<!tpu.dma_semaphore, #tpu.memory_space<semaphore_mem>>)
      } else {
      }
      %dma_wait3A_69 = arith.constant 0 : i32
      %dma_wait3A_70 = arith.constant 0 : i32
      %dma_wait3A_71 = tpu.memref_slice %arg2[%dma_wait3A_69, %dma_wait3A_70] : memref<1000x1024xf32, #tpu.memory_space<hbm>> -> memref<32x1024xf32, #tpu.memory_space<hbm>>
      %dma_wait3A_72 = arith.constant 0 : i32
      %dma_wait3A_73 = arith.constant 0 : i32
      %dma_wait3A_74 = tpu.memref_slice %arg2[%dma_wait3A_72, %dma_wait3A_73] : memref<1000x1024xf32, #tpu.memory_space<hbm>> -> memref<32x1024xf32, #tpu.memory_space<hbm>>
      tpu.wait_dma2 semaphore(%arg9 : memref<!tpu.dma_semaphore, #tpu.memory_space<semaphore_mem>>) src(%dma_wait3A_74 : memref<32x1024xf32, #tpu.memory_space<hbm>>) dst(%arg7 : memref<32x1024xf32, #tpu.memory_space<vmem>>)
      %add3A_75 = arith.constant 1 : i32
      %add3A_76 = arith.addi %add3A_17, %add3A_75 : i32
      %add3A_77 = arith.addi %mul3A_2, %add3A_76 : i32
      %jit3A_78 = arith.constant 32 : i32
      %div3A_79 = arith.divsi %add3A_77, %jit3A_78 : i32
      %sign3A_80 = arith.constant 0 : i32
      %sign3A_81 = arith.cmpi sgt, %add3A_77, %sign3A_80 : i32
      %sign3A_82 = arith.extui %sign3A_81 : i1 to i32
      %sign3A_83 = arith.constant 0 : i32
      %sign3A_84 = arith.cmpi slt, %add3A_77, %sign3A_83 : i32
      %sign3A_85 = arith.extui %sign3A_84 : i1 to i32
      %sign3A_86 = arith.subi %sign3A_82, %sign3A_85 : i32
      %sign3A_87 = arith.constant 0 : i32
      %sign3A_88 = arith.cmpi sgt, %jit3A_78, %sign3A_87 : i32
      %sign3A_89 = arith.extui %sign3A_88 : i1 to i32
      %sign3A_90 = arith.constant 0 : i32
      %sign3A_91 = arith.cmpi slt, %jit3A_78, %sign3A_90 : i32
      %sign3A_92 = arith.extui %sign3A_91 : i1 to i32
      %sign3A_93 = arith.subi %sign3A_89, %sign3A_92 : i32
      %ne3A_94 = arith.cmpi ne, %sign3A_86, %sign3A_93 : i32
      %rem3A_95 = arith.remsi %add3A_77, %jit3A_78 : i32
      %ne3A_96 = arith.constant 0 : i32
      %ne3A_97 = arith.cmpi ne, %rem3A_95, %ne3A_96 : i32
      %and3A_98 = arith.andi %ne3A_94, %ne3A_97 : i1
      %sub3A_99 = arith.constant 1 : i32
      %sub3A_100 = arith.subi %div3A_79, %sub3A_99 : i32
      %select_n3A_101 = arith.select %and3A_98, %sub3A_100, %div3A_79 : i32
      %jit3A_102 = arith.constant 32 : i32
      %eq3A_103 = arith.constant 0 : i32
      %eq3A_104 = arith.cmpi eq, %jit3A_102, %eq3A_103 : i32
      %jit3A_105 = arith.constant 1 : i32
      %select_n3A_106 = arith.select %eq3A_104, %jit3A_105, %jit3A_102 : i32
      %rem3A_107 = arith.remsi %add3A_77, %select_n3A_106 : i32
      %ne3A_108 = arith.constant 0 : i32
      %ne3A_109 = arith.cmpi ne, %rem3A_107, %ne3A_108 : i32
      %lt3A_110 = arith.constant 0 : i32
      %lt3A_111 = arith.cmpi slt, %rem3A_107, %lt3A_110 : i32
      %lt3A_112 = arith.constant 0 : i32
      %lt3A_113 = arith.cmpi slt, %select_n3A_106, %lt3A_112 : i32
      %ne3A_114 = arith.xori %lt3A_111, %lt3A_113 : i1
      %and3A_115 = arith.andi %ne3A_114, %ne3A_109 : i1
      %add3A_116 = arith.addi %rem3A_107, %select_n3A_106 : i32
      %select_n3A_117 = arith.select %and3A_115, %add3A_116, %rem3A_107 : i32
      %mul3A_118 = arith.constant 32 : i32
      %mul3A_119 = arith.muli %select_n3A_117, %mul3A_118 : i32
      "tpu.region"() ({
        %run_scoped3A = tpu.sem_alloc : memref<!tpu.dma_semaphore, #tpu.memory_space<semaphore_mem>>
        %dma_start3A_120 = arith.constant 0 : i32
        %dma_start3A_121 = tpu.memref_slice %arg4[%select_n3A_101, %mul3A_119, %dma_start3A_120] : memref<10x1024x1024xf32, #tpu.memory_space<hbm>> -> memref<1x32x1024xf32, #tpu.memory_space<hbm>>
        %dma_start3A_122 = tpu.memref_squeeze %dma_start3A_121 : memref<1x32x1024xf32, #tpu.memory_space<hbm>> -> memref<32x1024xf32, #tpu.memory_space<hbm>>
        %dma_start3A_123 = arith.constant 0 : i32
        %dma_start3A_124 = tpu.memref_slice %arg4[%select_n3A_101, %mul3A_119, %dma_start3A_123] : memref<10x1024x1024xf32, #tpu.memory_space<hbm>> -> memref<1x32x1024xf32, #tpu.memory_space<hbm>>
        %dma_start3A_125 = tpu.memref_squeeze %dma_start3A_124 : memref<1x32x1024xf32, #tpu.memory_space<hbm>> -> memref<32x1024xf32, #tpu.memory_space<hbm>>
        tpu.enqueue_dma source(%arg7 : memref<32x1024xf32, #tpu.memory_space<vmem>>) target(%dma_start3A_125 : memref<32x1024xf32, #tpu.memory_space<hbm>>) target_semaphore(%run_scoped3A : memref<!tpu.dma_semaphore, #tpu.memory_space<semaphore_mem>>)
        %dma_wait3A_126 = arith.constant 0 : i32
        %dma_wait3A_127 = tpu.memref_slice %arg4[%select_n3A_101, %mul3A_119, %dma_wait3A_126] : memref<10x1024x1024xf32, #tpu.memory_space<hbm>> -> memref<1x32x1024xf32, #tpu.memory_space<hbm>>
        %dma_wait3A_128 = tpu.memref_squeeze %dma_wait3A_127 : memref<1x32x1024xf32, #tpu.memory_space<hbm>> -> memref<32x1024xf32, #tpu.memory_space<hbm>>
        %dma_wait3A_129 = arith.constant 0 : i32
        %dma_wait3A_130 = tpu.memref_slice %arg4[%select_n3A_101, %mul3A_119, %dma_wait3A_129] : memref<10x1024x1024xf32, #tpu.memory_space<hbm>> -> memref<1x32x1024xf32, #tpu.memory_space<hbm>>
        %dma_wait3A_131 = tpu.memref_squeeze %dma_wait3A_130 : memref<1x32x1024xf32, #tpu.memory_space<hbm>> -> memref<32x1024xf32, #tpu.memory_space<hbm>>
        tpu.wait_dma2 semaphore(%run_scoped3A : memref<!tpu.dma_semaphore, #tpu.memory_space<semaphore_mem>>) src(%arg7 : memref<32x1024xf32, #tpu.memory_space<vmem>>) dst(%dma_wait3A_131 : memref<32x1024xf32, #tpu.memory_space<hbm>>)
        tpu.yield
      }) : () -> ()
    }
    %scan3A_12 = arith.constant 5 : i32
    return
  }
}

</mosaic_0001>

<sc_bundles>
// kernel: _gather.3.cloned.1.call-start
scs
__scs_entry_jumppad:
0x0: {  	(pc) =	sbr.rel $0x88, $3  }
0x1: {  	(tag) =	ssettag $0x0;
	lr =	simm.s32 $0x1  }
0x2: {  	[smem:$0x3F9F] =	sst lr;
	_ =	strace $0xD0000000  }
0x3: {  	_ = 	snop  }
0x4: {  	_ = 	snop  }
0x5: {  	_ = 	snop  }
0x6: {  	_ = 	snop  }
0x7: {  	_ = 	snop  }
__scs_overlays_trampoline_lowered:
0x8: {  	[smem:$0x3FAE] =	sst s0  }
0x9: {  	[smem:$0x3FAF] =	sst s1  }
0xa: {  	[smem:$0x3FB0] =	sst s2  }
0xb: {  	[smem:$0x3FB1] =	sst s3  }
0xc: {  	[smem:$0x3FB2] =	sst s4  }
0xd: {  	[smem:$0x3FB3] =	sst s5  }
0xe: {  	[smem:$0x3FB4] =	sst s6  }
0xf: {  	[smem:$0x3FB5] =	sst s7  }
0x10: {  	[smem:$0x3FB6] =	sst s8  }
0x11: {  	[smem:$0x3FB7] =	sst s9;
	s0 =	simm.s32 @!p0 $0x0  }
0x12: {  	s1 =	sld [smem:$0x3F9D];
	s0 =	simm.s32 @p0 $0x1  }
0x13: {  	[smem:$0x3FB8] =	sst s0;
	s0 =	simm.s32 @!p1 $0x0  }
0x14: {  	s2 =	sld [smem:$0x3F9C];
	s0 =	simm.s32 @p1 $0x1  }
0x15: {  	[smem:$0x3FB9] =	sst s0;
	s0 =	simm.s32 @!p2 $0x0  }
0x16: {  	s3 =	sld [smem:$0x3FDB];
	s0 =	simm.s32 @p2 $0x1  }
0x17: {  	s4 =	simm.s32 $0x1BF5;
	[smem:$0x3FBB] =	sst s0  }
0x18: {  	s0 =	sld [smem:$0x3F9E];
	_ =	swait.ge [sflag:s4], $0x0  }
0x19: {  	s7 =	sld [smem:$0x3F9F]  }
0x1a: {  	s8 =	sadd.s32 $0xFFFFE003, lr  }
0x1b: {  	s9 =	sadd.s32 $0xFFFFFEF7, lr;
	s5 =	simm.s32 $0xFFFFFFFF;
	p2 =	slt.u32 s8, $0xFFFFF086  }
0x1c: {  	p1 =	slt.u32 s9, $0xF7A;
	s5 =	simm.s32 @!p2 $0x0  }
0x1d: {  	s5 =	simm.s32 @p1 $0x1;
	p0 =	seq.s32 s7, s2  }
0x1e: {  	s7 =	smul.u32 @!p0 $0xF7A, s2;
	p2 =	seq.s32 @!p0 s5, $0x0  }
0x1f: {  	s9 =	smul.u32 $0xF7A, s1;
	s8 =	simm.s32 @!p0 $0x1BF5;
	p2 =	por !p2, p0  }
0x20: {  	[sflag:s8] =	ssyncset.s32 @!p0 $0xFFFFF086;
	s6 =	sadd.s32 @!p0 s3, s7;
	s7 =	simm.s32 @!p0 $0x108  }
0x21: {  	s3 =	sadd.s32 s3, s9;
	s6 =	sadd.s32 @!p0 $0x88, s6;
	s7 =	simm.s32 @p2 $0x1082  }
0x22: {  	[simem:s7], [sflag:s8] =	dma.local @!p0 [hbm:s6], $0xF7A  }
0x23: {  	s9 =	sor.u32 $0xD0000000, s2;
	s6 =	simm.s32 $0x108;
	_ =	swait.ge @!p0 [sflag:s8], $0x0  }
0x24: {  	s3 =	sadd.s32 $0x88, s3;
	s6 =	simm.s32 @!p1 $0x1082;
	[sflag:s4] =	ssyncset.s32 $0xFFFFF086  }
0x25: {  	[simem:s6], [sflag:s4] =	dma.local [hbm:s3], $0xF7A  }
0x26: {  	[smem:$0x3F9F] =	sst s1;
	(tag) =	ssettag s2;
	_ =	strace s9  }
0x27: {  	s1 =	sld [smem:$0x3FAF]  }
0x28: {  	s2 =	sld [smem:$0x3FB0]  }
0x29: {  	s4 =	sld [smem:$0x3FB2]  }
0x2a: {  	p0 =	seq.s32 s5, $0x0;
	s5 =	sld [smem:$0x3FB3]  }
0x2b: {  	s6 =	sld [smem:$0x3FB4]  }
0x2c: {  	s7 =	sld [smem:$0x3FB5]  }
0x2d: {  	s3 =	simm.s32 $0x108;
	s8 =	sld [smem:$0x3FB6]  }
0x2e: {  	s3 =	simm.s32 @!p0 $0x1082;
	s9 =	sld [smem:$0x3FB7]  }
0x2f: {  	lr =	sadd.s32 s0, s3;
	s0 =	sld [smem:$0x3FAE]  }
0x30: {  	s3 =	sld [smem:$0x3FB1]  }
0x31: {  	[smem:$0x3FBA] =	sst s10  }
0x32: {  	s10 =	sld [smem:$0x3FB8];
	_ =	sdelay $0x3  }
0x33: {  	p0 =	seq.s32 s10, $0x1;
	s10 =	sld [smem:$0x3FBA];
	_ =	sdelay $0x3  }
0x34: {  	[smem:$0x3FBA] =	sst s10  }
0x35: {  	s10 =	sld [smem:$0x3FB9];
	_ =	sdelay $0x3  }
0x36: {  	p1 =	seq.s32 s10, $0x1;
	s10 =	sld [smem:$0x3FBA];
	_ =	sdelay $0x3  }
0x37: {  	[smem:$0x3FBA] =	sst s10  }
0x38: {  	s10 =	sld [smem:$0x3FBB]  }
0x39: {  	_ = 	snop;
	(pc) =	sbr.ind lr, $3  }
0x3a: {  	_ = 	snop  }
0x3b: {  	_ = 	snop  }
0x3c: {  	p2 =	seq.s32 s10, $0x1;
	s10 =	sld [smem:$0x3FBA]  }
0x3d: {  	_ =	shalt  }
0x3e: {  	_ =	shalt  }
0x3f: {  	_ =	shalt  }
0x40: {  	_ =	shalt  }
0x41: {  	_ =	shalt  }
0x42: {  	_ =	shalt  }
0x43: {  	_ =	shalt  }
0x44: {  	_ =	shalt  }
0x45: {  	_ =	shalt  }
0x46: {  	_ =	shalt  }
0x47: {  	_ =	shalt  }
0x48: {  	_ =	shalt  }
0x49: {  	_ =	shalt  }
0x4a: {  	_ =	shalt  }
0x4b: {  	_ =	shalt  }
0x4c: {  	_ =	shalt  }
0x4d: {  	_ =	shalt  }
0x4e: {  	_ =	shalt  }
0x4f: {  	_ =	shalt  }
0x50: {  	_ =	shalt  }
0x51: {  	_ =	shalt  }
0x52: {  	_ =	shalt  }
0x53: {  	_ =	shalt  }
0x54: {  	_ =	shalt  }
0x55: {  	_ =	shalt  }
0x56: {  	_ =	shalt  }
0x57: {  	_ =	shalt  }
0x58: {  	_ =	shalt  }
0x59: {  	_ =	shalt  }
0x5a: {  	_ =	shalt  }
0x5b: {  	_ =	shalt  }
0x5c: {  	_ =	shalt  }
0x5d: {  	_ =	shalt  }
0x5e: {  	_ =	shalt  }
0x5f: {  	_ =	shalt  }
0x60: {  	_ =	shalt  }
0x61: {  	_ =	shalt  }
0x62: {  	_ =	shalt  }
0x63: {  	_ =	shalt  }
0x64: {  	_ =	shalt  }
0x65: {  	_ =	shalt  }
0x66: {  	_ =	shalt  }
0x67: {  	_ =	shalt  }
0x68: {  	_ =	shalt  }
0x69: {  	_ =	shalt  }
0x6a: {  	_ =	shalt  }
0x6b: {  	_ =	shalt  }
0x6c: {  	_ =	shalt  }
0x6d: {  	_ =	shalt  }
0x6e: {  	_ =	shalt  }
0x6f: {  	_ =	shalt  }
0x70: {  	_ =	shalt  }
0x71: {  	_ =	shalt  }
0x72: {  	_ =	shalt  }
0x73: {  	_ =	shalt  }
0x74: {  	_ =	shalt  }
0x75: {  	_ =	shalt  }
0x76: {  	_ =	shalt  }
0x77: {  	_ =	shalt  }
0x78: {  	_ =	shalt  }
0x79: {  	_ =	shalt  }
0x7a: {  	_ =	shalt  }
0x7b: {  	_ =	shalt  }
0x7c: {  	_ =	shalt  }
0x7d: {  	_ =	shalt  }
0x7e: {  	_ =	shalt  }
0x7f: {  	_ =	shalt  }
0x80: {  	_ =	shalt  }
0x81: {  	_ =	shalt  }
0x82: {  	_ =	shalt  }
0x83: {  	_ =	shalt  }
0x84: {  	_ =	shalt  }
0x85: {  	_ =	shalt  }
0x86: {  	_ =	shalt  }
0x87: {  	_ =	shalt  }
.Lfunc_end0:
.L_simem_size_0:
called_computation_lowered:
.L_overlay_start_0:
0x88: {  	s2 =	sld [smem:$0x3FD9]  }
0x89: {  	s3 =	sld [smem:$0x3FFE];
	_ =	sdelay $0x1  }
0x8a: {  	s1 =	srdreg.scid  }
0x8b: {  	s0 =	sand.u32 $0x1, s1  }
0x8c: {  	s17 =	sshll.u32 s0, $0xA;
	s2 =	sadd.s32 s3, s2  }
0x8d: {  	s2 =	sadd.s32 s2, s17  }
0x8e: {  	[smem:$0x3FC6] =	sst s2  }
0x8f: {  	_ = 	snop  }
0x90: {  	s2 =	sld [smem:$0x3FC9]  }
0x91: {  	s18 =	sld [smem:$0x3FD0];
	(tm) =	ssettm $0x1  }
0x92: {  	s4 =	sld [smem:$0x3FFB];
	_ =	sdelay $0x3  }
0x93: {  	_ =	strace s4  }
0x94: {  	s4 =	sld [smem:$0x3FFC];
	_ =	sdelay $0x3  }
0x95: {  	_ =	strace s4  }
0x96: {  	s4 =	sld [smem:$0x3FFD];
	_ =	sdelay $0x3  }
0x97: {  	_ =	strace s4  }
0x98: {  	_ =	strace $0x8FFFFFFF  }
0x99: {  	s19 =	sld [smem:$0x3FDB];
	_ =	sdelay $0x1  }
0x9a: {  	s5 =	simm.s32 $_scs_section_size  }
0x9b: {  	s6 =	simm.s32 $_size__tile_overlayer_lowered;
	s7 =	simm.s32 $_tile_overlayer_lowered  }
0x9c: {  	s22 =	simm.s32 $0x1BFF;
	s21 =	sshll.u32 s7, $0x1;
	s4 =	sadd.s32 s5, s19  }
0x9d: {  	s8 =	simm.s32 $0x0;
	s20 =	sshll.u32 s6, $0x1;
	s6 =	sadd.s32 s21, s4  }
0x9e: {  	[timem:s8], [sflag:s22] =	dma.local [hbm:s6], s20  }
0x9f: {  	_ =	swait.ge [sflag:s22], s20  }
0xa0: {  	s5 =	ssub.s32 $0x0, s20;
	[sflag:s22] =	ssyncset.done $0x0  }
0xa1: {  	[sflag:s22] =	ssyncadd.s32 s5;
	_ =	sdelay $0x1  }
0xa2: {  	s23 =	simm.s32 $0x1B8B  }
0xa3: {  	_ =	swait.ge [sflag:s23], $0x1  }
0xa4: {  	[sflag:s23] =	ssyncset.done $0x0  }
0xa5: {  	s25 =	simm.s32 $0x1B8E;
	s24 =	sld [smem:$0x3FFE];
	[sflag:s23] =	ssyncadd.s32 $0xFFFFFFFF  }
0xa6: {  	s26 =	simm.s32 $execute0_lowered;
	[smem:$0x3FD2] =	sst s25  }
0xa7: {  	s6 =	sshll.u32 s26, $0x1;
	_ =	strace $0x80000046;
	[dreg:$0x1] =	wrdreg $0xFFFFFFFF  }
0xa8: {  	s28 =	simm.s32 $_size_execute0_lowered;
	s4 =	sadd.s32 s4, s6;
	[dreg:$0x0] =	wrdreg $0x0  }
0xa9: {  	s6 =	sshll.u32 s28, $0x1;
	[dreg:$0x2] =	wrdreg s4  }
0xaa: {  	[dreg:$0x3] =	wrdreg s6  }
0xab: {  	[dreg:$0x4] =	wrdreg $0xC0  }
0xac: {  	_ =	task [dreg:s8], $0x5FFFF  }
0xad: {  	[dreg:$0x1] =	wrdreg $0xFFFFFFFF  }
0xae: {  	[dreg:$0x0] =	wrdreg $0x60  }
0xaf: {  	[dreg:$0x2] =	wrdreg s2  }
0xb0: {  	[dreg:$0x3] =	wrdreg s24  }
0xb1: {  	[dreg:$0x4] =	wrdreg s18  }
0xb2: {  	[dreg:$0x5] =	wrdreg $0x9  }
0xb3: {  	_ =	task.clear_ibuf [dreg:s8], $0x6FFFF;
	_ =	strace $0x90000046  }
0xb4: {  	s29 =	simm.s32 $0x9;
	_ =	strace $0x80000048  }
0xb5: {  	_ =	swait.ge [sflag:s29], $0x1  }
0xb6: {  	[sflag:s29] =	ssyncadd.s32 $0xFFFFFFFF  }
0xb7: {  	_ =	strace $0x90000048  }
0xb8: {  	_ =	sfence  }
0xb9: {  	s30 =	sld [smem:$0x0];
	_ =	sdelay $0x2  }
0xba: {  	s31 =	sshll.u32 s1, $0xD;
	s1 =	sshrl.u32 s1, $0x2  }
0xbb: {  	s3 =	sand.u32 $0x4000, s31;
	s1 =	sadd.s32 s1, s30  }
0xbc: {  	s0 =	sor.u32 s3, s0;
	s1 =	sshll.u32 s1, $0x11  }
0xbd: {  	s0 =	sor.u32 s1, s0  }
0xbe: {  	s0 =	sadd.s32 $0x8F2B, s0  }
0xbf: {  	[sflag:s0] =	ssyncadd.remote.s32 $0x1  }
0xc0: {  	_ =	sfence.sel $0xFFFF  }
0xc1: {  	[dreg:$0x0] =	wrdreg $0xFFFFFFFF;
	(pc) =	sbr.abs _section_cstart, $3  }
0xc2: {  	[dreg:$0x1] =	wrdreg $0xFFFFFFFF  }
0xc3: {  	_ =	task.clear_ibuf [dreg:s8], $0x2FFFF;
	_ =	strace $0x9FFFFFFF  }
0xc4: {  	(tm) =	ssettm $0x7FFFFFFF  }
0xc5: {  	_ =	shalt  }
tec
execute0_lowered:
.L_overlay_start_1:
0x0: {  	(tag) =	ssettag $0x1  }
0x1: {  	s1 =	rddreg [dreg:$0x0]  }
0x2: {  	s0 =	rddreg [dreg:$0x1]  }
0x3: {  	s2 =	rddreg [dreg:$0x2];
	s3 =	simm.s32 $0x0  }
0x4: {  	s4 =	srdreg.scid;
	s11 =	stileid.u32;
	s14 =	simm.s32 $0x9000  }
0x5: {  	s15 =	simm.s32 $0x9800;
	s16 =	simm.s32 $0xA000;
	s17 =	simm.s32 $0xA800  }
0x6: {  	s18 =	simm.s32 $0xB000;
	s19 =	simm.s32 $0xB800;
	s20 =	simm.s32 $0xC000  }
0x7: {  	s21 =	simm.s32 $0xC800;
	s22 =	simm.s32 $0xD000;
	s28 =	simm.s32 $0xF800  }
0x8: {  	s29 =	simm.s32 $0x10000;
	s30 =	simm.s32 $0x1;
	[smem:$0x7FF] =	sst s3  }
0x9: {  	s31 =	simm.s32 $0x2;
	_ =	strace $0x80000047;
	[dreg:$0x6] =	wrdreg s14  }
0xa: {  	s5 =	sand.u32 $0x1, s4;
	s8 =	smul.u32 $0x14, s11;
	[dreg:$0x7] =	wrdreg s15  }
0xb: {  	s23 =	sshll.u32 s11, $0x9;
	s25 =	smul.u32 $0x14000, s11;
	[dreg:$0x8] =	wrdreg s16  }
0xc: {  	s6 =	sshll.u32 s5, $0x8;
	s9 =	smul.u32 $0xA, s5;
	[dreg:$0x9] =	wrdreg s17  }
0xd: {  	s7 =	ssub.s32 $0x2, s5;
	s26 =	smul.u32 $0xA000, s5;
	[dreg:$0xa] =	wrdreg s18  }
0xe: {  	s5 =	sadd.s32 $0x100, s1;
	s14 =	simm.s32 $0x2800;
	[dreg:$0xb] =	wrdreg s19  }
0xf: {  	s15 =	simm.s32 $0x3000;
	s16 =	simm.s32 $0x3800;
	[dreg:$0xc] =	wrdreg s20  }
0x10: {  	s17 =	simm.s32 $0x4000;
	s18 =	simm.s32 $0x4800;
	[dreg:$0xd] =	wrdreg s21  }
0x11: {  	s19 =	simm.s32 $0x5000;
	s20 =	simm.s32 $0x5800;
	[dreg:$0xe] =	wrdreg s22  }
0x12: {  	s21 =	simm.s32 $0x6000;
	s22 =	simm.s32 $0x6800;
	s4 =	sor.u32 s6, s23  }
0x13: {  	s24 =	sshrl.u32 s7, $0x1;
	s12 =	sadd.s32 s25, s2;
	s6 =	sadd.s32 $0x200, s1  }
0x14: {  	s23 =	simm.s32 $0xD800;
	s25 =	simm.s32 $0xE800;
	s0 =	sadd.s32 s4, s0  }
0x15: {  	s10 =	ssub.s32 s7, s24;
	s11 =	sadd.s32 s9, s8;
	s9 =	simm.s32 $0x3  }
0x16: {  	[dreg:$0xf] =	wrdreg s23;
	s24 =	simm.s32 $0xE000;
	s23 =	simm.s32 $0x7000  }
0x17: {  	[dreg:$0x11] =	wrdreg s25;
	s25 =	simm.s32 $0x8000;
	s4 =	sadd.s32 $0x400, s0  }
0x18: {  	s7 =	sshll.u32 s11, $0xC;
	s0 =	sadd.s32 s26, s12;
	s8 =	smax.u32 s10, $0x1  }
0x19: {  	s10 =	simm.s32 $0x800;
	[dreg:$0x10] =	wrdreg s24;
	s26 =	simm.s32 $0xF000  }
0x1a: {  	v2 =	vlaneseq.u32;
	s24 =	simm.s32 $0x7800;
	s2 =	sadd.s32 s7, s2;
	[dreg:$0x4] =	wrdreg s0  }
0x1b: {  	vm0 =	vmmov $0xffff;
	v1 =	vshrl.u32 v2, $0x3;
	s7 =	sadd.s32 $0x300, s1;
	[dreg:$0x12] =	wrdreg s26;
	s13 =	sadd.s32 $0x1000, s2  }
0x1c: {  	v0 =	vand.u32 $0x7, v2;
	v2 =	vor.u32 $0x8, v2;
	v1 =	vmul.u32 $0x8, v1;
	s26 =	simm.s32 $0x8800;
	s0 =	simm.s32 $0x0;
	[dreg:$0x5] =	wrdreg s13  }
.LBB2_1:
0x1d: {  	[tilespmem:s3], [sflag:$0x3] =	stream.linear.gather [hbm4b:s4+s3], $0x500, $0x38;
	[tilespmem:$0x10800] =	vst v63  }
0x1e: {  	_ =	swait.ge [sflag:s9], $0x500  }
0x1f: {  	[sflag:s9] =	ssyncset.done $0x0  }
0x20: {  	[sflag:s9] =	ssyncadd.s32 $0xFFFFFB00  }
0x21: {  	v3 =	vld [tilespmem:$0x0];
	_ =	sdelay $0x4  }
0x22: {  	v4 =	vshll.u32 v3, $0x3  }
0x23: {  	v3 =	vand.u32 $0x7, v3;
	v4 =	vand.u32 $0xFFFFFFC0, v4  }
0x24: {  	v3 =	vor.u32 v3, v4  }
0x25: {  	v4 =	vperm.xlane v3, v0;
	_ =	sdelay $0x1  }
0x26: {  	v4 =	vadd.s32 v1, v4;
	_ =	sdelay $0x4  }
0x27: {  	[tilespmem:s10], [sflag:$0x1] =	stream.indirect_vreg.gather [hbm4b:s1+s3], $0x80, v4, vm0, $0xb8;
	[tilespmem:$0x10800] =	vst v63  }
0x28: {  	s2 =	simm.s32 $0x1000;
	v3 =	vperm.xlane v3, v2  }
0x29: {  	[tilespmem:s2], [sflag:$0x1] =	stream.indirect_vreg.gather [hbm4b:s5+s3], $0x80, v4, vm0, $0xb8;
	[tilespmem:$0x10800] =	vst v63  }
0x2a: {  	s12 =	simm.s32 $0x1800;
	v3 =	vadd.s32 v1, v3  }
0x2b: {  	[tilespmem:s12], [sflag:$0x1] =	stream.indirect_vreg.gather [hbm4b:s6+s3], $0x80, v4, vm0, $0xb8;
	[tilespmem:$0x10800] =	vst v63  }
0x2c: {  	s13 =	simm.s32 $0x2000  }
0x2d: {  	[tilespmem:s13], [sflag:$0x1] =	stream.indirect_vreg.gather [hbm4b:s7+s3], $0x80, v4, vm0, $0xb8;
	[tilespmem:$0x10800] =	vst v63  }
0x2e: {  	_ = 	snop  }
0x2f: {  	[tilespmem:s14], [sflag:$0x1] =	stream.indirect_vreg.gather [hbm4b:s1+s3], $0x80, v3, vm0, $0xb8;
	[tilespmem:$0x10800] =	vst v63  }
0x30: {  	_ = 	snop  }
0x31: {  	[tilespmem:s15], [sflag:$0x1] =	stream.indirect_vreg.gather [hbm4b:s5+s3], $0x80, v3, vm0, $0xb8;
	[tilespmem:$0x10800] =	vst v63  }
0x32: {  	_ = 	snop  }
0x33: {  	[tilespmem:s16], [sflag:$0x1] =	stream.indirect_vreg.gather [hbm4b:s6+s3], $0x80, v3, vm0, $0xb8;
	[tilespmem:$0x10800] =	vst v63  }
0x34: {  	_ = 	snop  }
0x35: {  	[tilespmem:s17], [sflag:$0x1] =	stream.indirect_vreg.gather [hbm4b:s7+s3], $0x80, v3, vm0, $0xb8;
	[tilespmem:$0x10800] =	vst v63  }
0x36: {  	v3 =	vld [tilespmem:$0x10];
	_ =	sdelay $0x4  }
0x37: {  	v63 =	vshll.u32 v3, $0x3  }
0x38: {  	v3 =	vand.u32 $0x7, v3;
	v4 =	vand.u32 $0xFFFFFFC0, v63  }
0x39: {  	v3 =	vor.u32 v3, v4  }
0x3a: {  	v4 =	vperm.xlane v3, v0;
	_ =	sdelay $0x1  }
0x3b: {  	v4 =	vadd.s32 v1, v4;
	_ =	sdelay $0x4  }
0x3c: {  	[tilespmem:s18], [sflag:$0x1] =	stream.indirect_vreg.gather [hbm4b:s1+s3], $0x80, v4, vm0, $0xb8;
	[tilespmem:$0x10800] =	vst v63  }
0x3d: {  	v3 =	vperm.xlane v3, v2  }
0x3e: {  	[tilespmem:s19], [sflag:$0x1] =	stream.indirect_vreg.gather [hbm4b:s5+s3], $0x80, v4, vm0, $0xb8;
	[tilespmem:$0x10800] =	vst v63  }
0x3f: {  	v3 =	vadd.s32 v1, v3  }
0x40: {  	[tilespmem:s20], [sflag:$0x1] =	stream.indirect_vreg.gather [hbm4b:s6+s3], $0x80, v4, vm0, $0xb8;
	[tilespmem:$0x10800] =	vst v63  }
0x41: {  	_ = 	snop  }
0x42: {  	[tilespmem:s21], [sflag:$0x1] =	stream.indirect_vreg.gather [hbm4b:s7+s3], $0x80, v4, vm0, $0xb8;
	[tilespmem:$0x10800] =	vst v63  }
0x43: {  	_ = 	snop  }
0x44: {  	[tilespmem:s22], [sflag:$0x1] =	stream.indirect_vreg.gather [hbm4b:s1+s3], $0x80, v3, vm0, $0xb8;
	[tilespmem:$0x10800] =	vst v63  }
0x45: {  	_ = 	snop  }
0x46: {  	[tilespmem:s23], [sflag:$0x1] =	stream.indirect_vreg.gather [hbm4b:s5+s3], $0x80, v3, vm0, $0xb8;
	[tilespmem:$0x10800] =	vst v63  }
0x47: {  	_ = 	snop  }
0x48: {  	[tilespmem:s24], [sflag:$0x1] =	stream.indirect_vreg.gather [hbm4b:s6+s3], $0x80, v3, vm0, $0xb8;
	[tilespmem:$0x10800] =	vst v63  }
0x49: {  	s11 =	simm.s32 $0x0;
	s2 =	simm.s32 $0x90  }
0x4a: {  	[tilespmem:s25], [sflag:$0x1] =	stream.indirect_vreg.gather [hbm4b:s7+s3], $0x80, v3, vm0, $0xb8;
	[tilespmem:$0x10800] =	vst v63  }
.LBB2_2:
0x4b: {  	v3 =	vld [tilespmem:s2+$0xFFFFFFF0];
	_ =	sdelay $0x4  }
0x4c: {  	v4 =	vshll.u32 v3, $0x3  }
0x4d: {  	v3 =	vand.u32 $0x7, v3;
	v4 =	vand.u32 $0xFFFFFFC0, v4  }
0x4e: {  	v3 =	vor.u32 v3, v4  }
0x4f: {  	v4 =	vperm.xlane v3, v0;
	_ =	sdelay $0x1  }
0x50: {  	v4 =	vadd.s32 v1, v4;
	_ =	sdelay $0x4  }
0x51: {  	[tilespmem:s26], [sflag:$0x2] =	stream.indirect_vreg.gather [hbm4b:s1+s3], $0x80, v4, vm0, $0xb8;
	[tilespmem:$0x10800] =	vst v63  }
0x52: {  	s12 =	rddreg [dreg:$0x6];
	v3 =	vperm.xlane v3, v2  }
0x53: {  	[tilespmem:s12], [sflag:$0x2] =	stream.indirect_vreg.gather [hbm4b:s5+s3], $0x80, v4, vm0, $0xb8;
	[tilespmem:$0x10800] =	vst v63  }
0x54: {  	s13 =	rddreg [dreg:$0x7];
	v3 =	vadd.s32 v1, v3  }
0x55: {  	[tilespmem:s13], [sflag:$0x2] =	stream.indirect_vreg.gather [hbm4b:s6+s3], $0x80, v4, vm0, $0xb8;
	[tilespmem:$0x10800] =	vst v63  }
0x56: {  	s12 =	rddreg [dreg:$0x8]  }
0x57: {  	[tilespmem:s12], [sflag:$0x2] =	stream.indirect_vreg.gather [hbm4b:s7+s3], $0x80, v4, vm0, $0xb8;
	[tilespmem:$0x10800] =	vst v63  }
0x58: {  	s13 =	rddreg [dreg:$0x9]  }
0x59: {  	[tilespmem:s13], [sflag:$0x2] =	stream.indirect_vreg.gather [hbm4b:s1+s3], $0x80, v3, vm0, $0xb8;
	[tilespmem:$0x10800] =	vst v63  }
0x5a: {  	s12 =	rddreg [dreg:$0xa]  }
0x5b: {  	[tilespmem:s12], [sflag:$0x2] =	stream.indirect_vreg.gather [hbm4b:s5+s3], $0x80, v3, vm0, $0xb8;
	[tilespmem:$0x10800] =	vst v63  }
0x5c: {  	s13 =	rddreg [dreg:$0xb]  }
0x5d: {  	[tilespmem:s13], [sflag:$0x2] =	stream.indirect_vreg.gather [hbm4b:s6+s3], $0x80, v3, vm0, $0xb8;
	[tilespmem:$0x10800] =	vst v63  }
0x5e: {  	s12 =	rddreg [dreg:$0xc]  }
0x5f: {  	[tilespmem:s12], [sflag:$0x2] =	stream.indirect_vreg.gather [hbm4b:s7+s3], $0x80, v3, vm0, $0xb8;
	[tilespmem:$0x10800] =	vst v63  }
0x60: {  	v3 =	vld [tilespmem:s2+$0x0];
	_ =	sdelay $0x4  }
0x61: {  	v63 =	vshll.u32 v3, $0x3  }
0x62: {  	v3 =	vand.u32 $0x7, v3;
	v4 =	vand.u32 $0xFFFFFFC0, v63  }
0x63: {  	v3 =	vor.u32 v3, v4  }
0x64: {  	v4 =	vperm.xlane v3, v0;
	_ =	sdelay $0x1  }
0x65: {  	v4 =	vadd.s32 v1, v4;
	_ =	sdelay $0x3  }
0x66: {  	s12 =	rddreg [dreg:$0xd]  }
0x67: {  	[tilespmem:s12], [sflag:$0x2] =	stream.indirect_vreg.gather [hbm4b:s1+s3], $0x80, v4, vm0, $0xb8;
	[tilespmem:$0x10800] =	vst v63  }
0x68: {  	s13 =	rddreg [dreg:$0xe];
	v3 =	vperm.xlane v3, v2  }
0x69: {  	[tilespmem:s13], [sflag:$0x2] =	stream.indirect_vreg.gather [hbm4b:s5+s3], $0x80, v4, vm0, $0xb8;
	[tilespmem:$0x10800] =	vst v63  }
0x6a: {  	v3 =	vadd.s32 v1, v3;
	s12 =	rddreg [dreg:$0xf]  }
0x6b: {  	[tilespmem:s12], [sflag:$0x2] =	stream.indirect_vreg.gather [hbm4b:s6+s3], $0x80, v4, vm0, $0xb8;
	[tilespmem:$0x10800] =	vst v63  }
0x6c: {  	s13 =	rddreg [dreg:$0x10]  }
0x6d: {  	[tilespmem:s13], [sflag:$0x2] =	stream.indirect_vreg.gather [hbm4b:s7+s3], $0x80, v4, vm0, $0xb8;
	[tilespmem:$0x10800] =	vst v63  }
0x6e: {  	s12 =	rddreg [dreg:$0x11]  }
0x6f: {  	[tilespmem:s12], [sflag:$0x2] =	stream.indirect_vreg.gather [hbm4b:s1+s3], $0x80, v3, vm0, $0xb8;
	[tilespmem:$0x10800] =	vst v63  }
0x70: {  	s13 =	rddreg [dreg:$0x12]  }
0x71: {  	[tilespmem:s13], [sflag:$0x2] =	stream.indirect_vreg.gather [hbm4b:s5+s3], $0x80, v3, vm0, $0xb8;
	[tilespmem:$0x10800] =	vst v63  }
0x72: {  	_ = 	snop  }
0x73: {  	[tilespmem:s28], [sflag:$0x2] =	stream.indirect_vreg.gather [hbm4b:s6+s3], $0x80, v3, vm0, $0xb8;
	[tilespmem:$0x10800] =	vst v63  }
0x74: {  	_ = 	snop  }
0x75: {  	[tilespmem:s29], [sflag:$0x2] =	stream.indirect_vreg.gather [hbm4b:s7+s3], $0x80, v3, vm0, $0xb8;
	[tilespmem:$0x10800] =	vst v63  }
0x76: {  	_ =	swait.ge [sflag:s30], $0x8000  }
0x77: {  	s13 =	rddreg [dreg:$0x4];
	[sflag:s30] =	ssyncset.done $0x0  }
0x78: {  	[sflag:s30] =	ssyncadd.s32 $0xFFFF8000;
	s12 =	sadd.s32 s11, s13  }
0x79: {  	[hbm4b:s12+s3] =	stream.linear.scatter [tilespmem:s10], [sflag:$0x3], $0x8000, $0x38;
	[tilespmem:$0x10800] =	vst v63  }
0x7a: {  	_ =	swait.ge [sflag:s9], $0x8000  }
0x7b: {  	[sflag:s9] =	ssyncset.done $0x0  }
0x7c: {  	p0 =	seq.s32 s11, $0x8000;
	[sflag:s9] =	ssyncadd.s32 $0xFFFF8000  }
0x7d: {  	v3 =	vld @!p0 [tilespmem:s2+$0x70];
	_ =	sdelay $0x4  }
0x7e: {  	v4 =	vshll.u32 @!p0 v3, $0x3  }
0x7f: {  	v5 =	vlaneseq.u32 @!p0;
	v3 =	vand.u32 @!p0 $0x7, v3;
	v4 =	vand.u32 @!p0 $0xFFFFFFC0, v4  }
0x80: {  	v6 =	vshrl.u32 @!p0 v5, $0x3;
	v3 =	vor.u32 @!p0 v3, v4;
	v4 =	vand.u32 @!p0 $0x7, v5  }
0x81: {  	v6 =	vmul.u32 @!p0 $0x8, v6;
	v7 =	vperm.xlane @!p0 v3, v4;
	_ =	sdelay $0x1  }
0x82: {  	v7 =	vadd.s32 @!p0 v6, v7;
	_ =	sdelay $0x3  }
0x83: {  	vm1 =	vmmov @!p0 $0xffff;
	s13 =	simm.s32 @!p0 $0x800;
	s12 =	simm.s32 @!p0 $0x0  }
0x84: {  	v5 =	vor.u32 @!p0 $0x8, v5;
	[tilespmem:s13], [sflag:$0x1] =	stream.indirect_vreg.gather @!p0 [hbm4b:s1+s12], $0x80, v7, vm1, $0xb8;
	[tilespmem:$0x10800] =	vst v63  }
0x85: {  	v3 =	vperm.xlane @!p0 v3, v5;
	s13 =	simm.s32 @!p0 $0x1000  }
0x86: {  	[tilespmem:s13], [sflag:$0x1] =	stream.indirect_vreg.gather @!p0 [hbm4b:s5+s12], $0x80, v7, vm1, $0xb8;
	[tilespmem:$0x10800] =	vst v63  }
0x87: {  	v3 =	vadd.s32 @!p0 v6, v3;
	s13 =	simm.s32 @!p0 $0x1800  }
0x88: {  	[tilespmem:s13], [sflag:$0x1] =	stream.indirect_vreg.gather @!p0 [hbm4b:s6+s12], $0x80, v7, vm1, $0xb8;
	[tilespmem:$0x10800] =	vst v63  }
0x89: {  	s13 =	simm.s32 @!p0 $0x2000  }
0x8a: {  	[tilespmem:s13], [sflag:$0x1] =	stream.indirect_vreg.gather @!p0 [hbm4b:s7+s12], $0x80, v7, vm1, $0xb8;
	[tilespmem:$0x10800] =	vst v63  }
0x8b: {  	s13 =	simm.s32 @!p0 $0x2800  }
0x8c: {  	[tilespmem:s13], [sflag:$0x1] =	stream.indirect_vreg.gather @!p0 [hbm4b:s1+s12], $0x80, v3, vm1, $0xb8;
	[tilespmem:$0x10800] =	vst v63  }
0x8d: {  	s13 =	simm.s32 @!p0 $0x3000  }
0x8e: {  	[tilespmem:s13], [sflag:$0x1] =	stream.indirect_vreg.gather @!p0 [hbm4b:s5+s12], $0x80, v3, vm1, $0xb8;
	[tilespmem:$0x10800] =	vst v63  }
0x8f: {  	s13 =	simm.s32 @!p0 $0x3800  }
0x90: {  	[tilespmem:s13], [sflag:$0x1] =	stream.indirect_vreg.gather @!p0 [hbm4b:s6+s12], $0x80, v3, vm1, $0xb8;
	[tilespmem:$0x10800] =	vst v63  }
0x91: {  	s13 =	simm.s32 @!p0 $0x4000  }
0x92: {  	[tilespmem:s13], [sflag:$0x1] =	stream.indirect_vreg.gather @!p0 [hbm4b:s7+s12], $0x80, v3, vm1, $0xb8;
	[tilespmem:$0x10800] =	vst v63  }
0x93: {  	v3 =	vld @!p0 [tilespmem:s2+$0x80];
	_ =	sdelay $0x4  }
0x94: {  	v7 =	vshll.u32 @!p0 v3, $0x3  }
0x95: {  	v3 =	vand.u32 @!p0 $0x7, v3;
	v7 =	vand.u32 @!p0 $0xFFFFFFC0, v7  }
0x96: {  	v3 =	vor.u32 @!p0 v3, v7  }
0x97: {  	v4 =	vperm.xlane @!p0 v3, v4;
	_ =	sdelay $0x1  }
0x98: {  	v4 =	vadd.s32 @!p0 v6, v4;
	_ =	sdelay $0x3  }
0x99: {  	s13 =	simm.s32 @!p0 $0x4800  }
0x9a: {  	[tilespmem:s13], [sflag:$0x1] =	stream.indirect_vreg.gather @!p0 [hbm4b:s1+s12], $0x80, v4, vm1, $0xb8;
	[tilespmem:$0x10800] =	vst v63  }
0x9b: {  	v3 =	vperm.xlane @!p0 v3, v5;
	s13 =	simm.s32 @!p0 $0x5000  }
0x9c: {  	[tilespmem:s13], [sflag:$0x1] =	stream.indirect_vreg.gather @!p0 [hbm4b:s5+s12], $0x80, v4, vm1, $0xb8;
	[tilespmem:$0x10800] =	vst v63  }
0x9d: {  	v3 =	vadd.s32 @!p0 v6, v3;
	s13 =	simm.s32 @!p0 $0x5800  }
0x9e: {  	[tilespmem:s13], [sflag:$0x1] =	stream.indirect_vreg.gather @!p0 [hbm4b:s6+s12], $0x80, v4, vm1, $0xb8;
	[tilespmem:$0x10800] =	vst v63  }
0x9f: {  	s13 =	simm.s32 @!p0 $0x6000  }
0xa0: {  	[tilespmem:s13], [sflag:$0x1] =	stream.indirect_vreg.gather @!p0 [hbm4b:s7+s12], $0x80, v4, vm1, $0xb8;
	[tilespmem:$0x10800] =	vst v63  }
0xa1: {  	s13 =	simm.s32 @!p0 $0x6800  }
0xa2: {  	[tilespmem:s13], [sflag:$0x1] =	stream.indirect_vreg.gather @!p0 [hbm4b:s1+s12], $0x80, v3, vm1, $0xb8;
	[tilespmem:$0x10800] =	vst v63  }
0xa3: {  	s13 =	simm.s32 @!p0 $0x7000  }
0xa4: {  	[tilespmem:s13], [sflag:$0x1] =	stream.indirect_vreg.gather @!p0 [hbm4b:s5+s12], $0x80, v3, vm1, $0xb8;
	[tilespmem:$0x10800] =	vst v63  }
0xa5: {  	s13 =	simm.s32 @!p0 $0x7800  }
0xa6: {  	[tilespmem:s13], [sflag:$0x1] =	stream.indirect_vreg.gather @!p0 [hbm4b:s6+s12], $0x80, v3, vm1, $0xb8;
	[tilespmem:$0x10800] =	vst v63  }
0xa7: {  	s13 =	simm.s32 @!p0 $0x8000  }
0xa8: {  	[tilespmem:s13], [sflag:$0x1] =	stream.indirect_vreg.gather @!p0 [hbm4b:s7+s12], $0x80, v3, vm1, $0xb8;
	[tilespmem:$0x10800] =	vst v63  }
0xa9: {  	_ =	swait.ge [sflag:s31], $0x8000  }
0xaa: {  	s13 =	rddreg [dreg:$0x5]  }
0xab: {  	s12 =	sadd.s32 s11, s13;
	s11 =	sadd.s32 $0x2000, s11  }
0xac: {  	[sflag:s31] =	ssyncset.done $0x0;
	p0 =	sne.s32 s11, $0xA000  }
.Ltmp0:
0xad: {  	[sflag:s31] =	ssyncadd.s32 $0xFFFF8000;
	(pc) =	sbr.rel @p0 .LBB2_2-.Ltmp0, $4  }
0xae: {  	[hbm4b:s12+s3] =	stream.linear.scatter [tilespmem:s26], [sflag:$0x3], $0x8000, $0x38;
	[tilespmem:$0x10800] =	vst v63  }
0xaf: {  	_ =	swait.ge [sflag:s9], $0x8000  }
0xb0: {  	[sflag:s9] =	ssyncset.done $0x0  }
0xb1: {  	s2 =	sadd.s32 $0x100, s2;
	[sflag:s9] =	ssyncadd.s32 $0xFFFF8000  }
0xb2: {  	s0 =	sadd.s32 $0x1, s0  }
0xb3: {  	p0 =	sne.s32 s0, s8  }
.Ltmp1:
0xb4: {  	_ = 	snop;
	(pc) =	sbr.rel @p0 .LBB2_1-.Ltmp1, $1  }
0xb5: {  	_ =	sdelay $0x3  }
0xb6: {  	_ =	sfence.sel $0x180000  }
0xb7: {  	[bflag:$0x0] =	sbarrier.arrive $0xFFFF  }
0xb8: {  	_ =	strace $0x90000047  }
0xb9: {  	s0 =	stileid.u32;
	[bflag:$0x2] =	sbarrier.arrive $0xFFFF  }
0xba: {  	p0 =	sne.s32 s0, $0x0;
	s0 =	rddreg [dreg:$0x3]  }
0xbb: {  	s0 =	sadd.s32 @!p0 $0x100000, s0  }
0xbc: {  	[sflag:s0] =	ssyncadd.tile.s32 @!p0 $0x1;
	_ =	shalt  }
.Lfunc_end2:
_tile_overlayer_lowered:
.L_overlay_start_2:
0xbd: {  	(tag) =	ssettag $0x2  }
0xbe: {  	s0 =	rddreg [dreg:$0x0];
	s2 =	stileid.u32  }
0xbf: {  	s1 =	rddreg [dreg:$0x1];
	p0 =	sne.s32 s2, $0x0  }
0xc0: {  	s3 =	rddreg [dreg:$0x2];
	[bflag:$0x3] =	sbarrier.arrive $0xFFFF;
	s2 =	simm.s32 @!p0 $0x1C03  }
0xc1: {  	[timem:s3], [sflag:s2] =	dma.local @!p0 [hbm:s0], s1  }
0xc2: {  	s0 =	simm.s32 @!p0 $0x3  }
0xc3: {  	_ =	swait.ge @!p0 [sflag:s0], s1  }
0xc4: {  	s1 =	ssub.s32 @!p0 $0x0, s1;
	[sflag:s0] =	ssyncset.done @!p0 $0x0  }
0xc5: {  	[sflag:s0] =	ssyncadd.s32 @!p0 s1  }
0xc6: {  	[bflag:$0x3] =	sbarrier.arrive $0xFFFF  }
0xc7: {  	_ =	shalt  }

</sc_bundles>
